<compile_context>
chip_gen: v7x
topology: tpu7x:2x2x1
jax: 0.10.2.dev20260603
libtpu: 0.0.44.dev20260713+nightly
codegen_flags: <defaults>
</compile_context>

<pallas_src>
import functools

import jax
import jax.numpy as jnp
from jax import lax
from jax.experimental import pallas as pl
from jax.experimental.pallas import tpu as pltpu
from jax.experimental.pallas import tpu_sc as plsc

B = 16384
N_BINS = 64
NC = 1
NS = 16
NW = NC * NS
CHUNK = B // NW
L = 16
NTBL = N_BINS // L

_mesh = plsc.VectorSubcoreMesh(core_axis_name="c", subcore_axis_name="s", num_cores=1)


@functools.partial(
    pl.kernel,
    mesh=_mesh,
    compiler_params=pltpu.CompilerParams(needs_layout_passes=False),
    out_type=[
        jax.ShapeDtypeStruct((B,), jnp.float32),
        jax.ShapeDtypeStruct((B,), jnp.float32),
    ],
    scratch_types=[
        pltpu.VMEM((3 * N_BINS,), jnp.float32),
        pltpu.VMEM((N_BINS,), jnp.float32),
        pltpu.VMEM((N_BINS,), jnp.float32),
        pltpu.VMEM((2, CHUNK), jnp.int32),
        pltpu.VMEM((CHUNK,), jnp.float32),
        pltpu.VMEM((CHUNK,), jnp.float32),
        pltpu.SemaphoreType.DMA,
        pltpu.SemaphoreType.DMA,
        pltpu.SemaphoreType.DMA,
        pltpu.SemaphoreType.DMA,
    ],
)
def _hazard_sc(tbl_hbm, tst_hbm,
               emb_hbm, ch_hbm,
               tbl_v, a_v, c_v, tst_v, emb_v, ch_v,
               sem_tbl, sem_tst, sem_emb, sem_ch):
    wid = lax.axis_index("s") * NC + lax.axis_index("c")
    base = wid * CHUNK

    cp_tbl = pltpu.async_copy(tbl_hbm, tbl_v, sem_tbl)
    cp_tst = pltpu.async_copy(tst_hbm.at[:, pl.ds(base, CHUNK)], tst_v, sem_tst)
    cp_tbl.wait()

    carry = jnp.float32(0.0)
    for j in range(NTBL):
        sl = pl.ds(j * L, L)
        lam = jnp.exp(tbl_v[sl])
        aw = lam * tbl_v[pl.ds(2 * N_BINS + j * L, L)]
        incl = jnp.cumsum(aw)
        a_v[sl] = lam
        c_v[sl] = (incl - aw + carry) - lam * tbl_v[pl.ds(N_BINS + j * L, L)]
        carry = carry + incl[L - 1]

    cp_tst.wait()

    @plsc.parallel_loop(0, CHUNK, L, unroll=4)
    def _(i):
        sl = pl.ds(i, L)
        idx = tst_v[0, sl]
        t = plsc.bitcast(tst_v[1, sl], jnp.float32)
        emb_v[sl] = plsc.load_gather(tbl_v, [idx])
        a = plsc.load_gather(a_v, [idx])
        c = plsc.load_gather(c_v, [idx])
        ch_v[sl] = a * t + c

    cp_emb = pltpu.async_copy(emb_v, emb_hbm.at[pl.ds(base, CHUNK)], sem_emb)
    cp_ch = pltpu.async_copy(ch_v, ch_hbm.at[pl.ds(base, CHUNK)], sem_ch)
    cp_emb.wait()
    cp_ch.wait()


def kernel(x, t, t_section, logw, breakpoints, widths):
    del x
    tbl = jnp.concatenate(
        [logw.reshape(N_BINS), breakpoints.reshape(N_BINS), widths.reshape(N_BINS)]
    )
    tst = jnp.stack(
        [t_section.astype(jnp.int32),
         lax.bitcast_convert_type(t.reshape(B), jnp.int32)]
    )
    emb, ch = _hazard_sc(tbl, tst)
    return emb.reshape(B, 1), ch.reshape(B, 1)

# --- scband reference (transcript-rebuilt; emitter-appended) ---
"""Pipeline reference for scband-piece-wise-hazard-40604620816557 (READ-ONLY COPY).

The authoritative reference and input builder live on the scoring server;
editing this copy changes nothing except your own understanding.
"""

import jax, jax.numpy as jnp
import numpy as np

B = 16384
N_BINS = 64  # len(breakpoints)=63 -> embedding rows = 64
MAX_T = 1280.0


def setup_inputs(seed: int = 0) -> dict:
    key = jax.random.key(seed)
    k1, k2, k3, k4 = jax.random.split(key, 4)
    x = jax.random.normal(k1, (B, 1), dtype=jnp.float32)
    t = jax.random.uniform(k2, (B, 1), minval=0.0, maxval=MAX_T, dtype=jnp.float32)
    t_section = jax.random.randint(k3, (B,), 0, N_BINS)
    # learned parameter: logλ embedding weight [N_BINS, 1]
    logw = jax.random.normal(k4, (N_BINS, 1), dtype=jnp.float32) * 0.1
    # buffers mirroring torch __init__: breakpoints=[0]+bp, widths=diff([0]+bp+[max_t])
    bp_list = [20.0 * i for i in range(1, N_BINS)]
    breakpoints = jnp.asarray([0.0] + bp_list, dtype=jnp.float32)  # [N_BINS]
    bounded = np.diff(np.asarray([0.0] + bp_list + [MAX_T], dtype=np.float64)).astype(np.float32)
    widths = jnp.asarray(bounded)[:, None]  # [N_BINS, 1]
    return {"x": x, "t": t, "t_section": t_section, "logw": logw,
            "breakpoints": breakpoints, "widths": widths}


def reference(x, t, t_section, logw, breakpoints, widths):
    # logλ(t_section): embedding gather
    emb = jnp.take(logw, t_section, axis=0)  # [B, 1]
    # cumulative_hazard
    lam = jnp.exp(logw)                       # [N_BINS, 1]
    cum_hazard = jnp.cumsum(lam * widths, axis=0)  # [N_BINS, 1]
    cum_hazard = jnp.concatenate([jnp.zeros((1, 1), dtype=cum_hazard.dtype), cum_hazard], axis=0)  # [N_BINS+1, 1]
    cum_hazard_sec = jnp.take(cum_hazard, t_section, axis=0)  # [B, 1]
    delta_t = t - jnp.take(breakpoints, t_section, axis=0)[:, None]  # [B, 1]
    ch = cum_hazard_sec + jnp.take(lam, t_section, axis=0) * delta_t  # [B, 1]
    return (emb, ch)

if __name__ == "__main__":
    import jax
    _d = setup_inputs()
    print(jax.jit(kernel)(*tuple(_d.values())))

</pallas_src>

<mosaic_0001>
#map = affine_map<(d0, d1) -> (0)>
#map1 = affine_map<(d0, d1) -> (0, 0)>
module attributes {stable_mosaic.version = 14 : i64} {
  func.func @_hazard_sc(%arg0: i32, %arg1: i32, %arg2: memref<192xf32, #tpu.memory_space<hbm>>, %arg3: memref<2x16384xi32, #tpu.memory_space<hbm>>, %arg4: memref<16384xf32, #tpu.memory_space<hbm>>, %arg5: memref<16384xf32, #tpu.memory_space<hbm>>, %arg6: memref<192xf32, #tpu.memory_space<vmem>>, %arg7: memref<64xf32, #tpu.memory_space<vmem>>, %arg8: memref<64xf32, #tpu.memory_space<vmem>>, %arg9: memref<2x1024xi32, #tpu.memory_space<vmem>>, %arg10: memref<1024xf32, #tpu.memory_space<vmem>>, %arg11: memref<1024xf32, #tpu.memory_space<vmem>>, %arg12: memref<!tpu.dma_semaphore, #tpu.memory_space<semaphore_mem>>, %arg13: memref<!tpu.dma_semaphore, #tpu.memory_space<semaphore_mem>>, %arg14: memref<!tpu.dma_semaphore, #tpu.memory_space<semaphore_mem>>, %arg15: memref<!tpu.dma_semaphore, #tpu.memory_space<semaphore_mem>>) attributes {dimension_semantics = [#tpu.dimension_semantics<core_parallel>, #tpu.dimension_semantics<subcore_parallel>], iteration_bounds = array<i64: 1, 16>, scalar_prefetch = 0 : i64, scratch_operands = 10 : i64, tpu.core_type = #tpu.core_type<sc_vector_subcore>, window_params = [{transform_indices = #map}, {transform_indices = #map1}, {transform_indices = #map}, {transform_indices = #map}]} {
    %mul3A = arith.constant 1 : i32
    %mul3A_0 = arith.muli %arg1, %mul3A : i32
    %add3A = arith.addi %mul3A_0, %arg0 : i32
    %mul3A_1 = arith.constant 1024 : i32
    %mul3A_2 = arith.muli %add3A, %mul3A_1 : i32
    tpu.enqueue_dma source(%arg2 : memref<192xf32, #tpu.memory_space<hbm>>) target(%arg6 : memref<192xf32, #tpu.memory_space<vmem>>) target_semaphore(%arg12 : memref<!tpu.dma_semaphore, #tpu.memory_space<semaphore_mem>>)
    %dma_start3A = arith.constant 0 : i32
    %dma_start3A_3 = tpu.memref_slice %arg3[%dma_start3A, %mul3A_2] : memref<2x16384xi32, #tpu.memory_space<hbm>> -> memref<2x1024xi32, #tpu.memory_space<hbm>>
    %dma_start3A_4 = arith.constant 0 : i32
    %dma_start3A_5 = tpu.memref_slice %arg3[%dma_start3A_4, %mul3A_2] : memref<2x16384xi32, #tpu.memory_space<hbm>> -> memref<2x1024xi32, #tpu.memory_space<hbm>>
    tpu.enqueue_dma source(%dma_start3A_5 : memref<2x1024xi32, #tpu.memory_space<hbm>>) target(%arg9 : memref<2x1024xi32, #tpu.memory_space<vmem>>) target_semaphore(%arg13 : memref<!tpu.dma_semaphore, #tpu.memory_space<semaphore_mem>>)
    tpu.wait_dma2 semaphore(%arg12 : memref<!tpu.dma_semaphore, #tpu.memory_space<semaphore_mem>>) src(%arg2 : memref<192xf32, #tpu.memory_space<hbm>>) dst(%arg6 : memref<192xf32, #tpu.memory_space<vmem>>)
    %get3A = arith.constant 0 : index
    %get3A_6 = tpu.vector_load %arg6[%get3A] {strides = array<i32>} : memref<192xf32, #tpu.memory_space<vmem>>, vector<16xf32>,
    %exp3A = math.exp %get3A_6 : vector<16xf32>
    %get3A_7 = arith.constant 128 : index
    %get3A_8 = tpu.vector_load %arg6[%get3A_7] {strides = array<i32>} : memref<192xf32, #tpu.memory_space<vmem>>, vector<16xf32>,
    %mul3A_9 = arith.mulf %exp3A, %get3A_8 : vector<16xf32>
    %cumsum3A = arith.constant true
    %cumsum3A_10 = vector.broadcast %cumsum3A : i1 to vector<16xi1>
    %cumsum3A_11 = tpu.scan <sum>, %mul3A_9 masked %cumsum3A_10 : vector<16xf32>, vector<16xi1> -> vector<16xf32>
    %swap3A = arith.constant 0 : index
    %swap3A_12 = tpu.vector_load %arg7[%swap3A] {strides = array<i32>} : memref<64xf32, #tpu.memory_space<vmem>>, vector<16xf32>,
    tpu.vector_store %arg7[%swap3A], %exp3A {strides = array<i32>} : memref<64xf32, #tpu.memory_space<vmem>>, vector<16xf32>,
    %sub3A = arith.subf %cumsum3A_11, %mul3A_9 : vector<16xf32>
    %add3A_13 = arith.constant 0.000000e+00 : f32
    %add3A_14 = vector.broadcast %add3A_13 : f32 to vector<16xf32>
    %add3A_15 = arith.addf %sub3A, %add3A_14 : vector<16xf32>
    %get3A_16 = arith.constant 64 : index
    %get3A_17 = tpu.vector_load %arg6[%get3A_16] {strides = array<i32>} : memref<192xf32, #tpu.memory_space<vmem>>, vector<16xf32>,
    %mul3A_18 = arith.mulf %exp3A, %get3A_17 : vector<16xf32>
    %sub3A_19 = arith.subf %add3A_15, %mul3A_18 : vector<16xf32>
    %swap3A_20 = arith.constant 0 : index
    %swap3A_21 = tpu.vector_load %arg8[%swap3A_20] {strides = array<i32>} : memref<64xf32, #tpu.memory_space<vmem>>, vector<16xf32>,
    tpu.vector_store %arg8[%swap3A_20], %sub3A_19 {strides = array<i32>} : memref<64xf32, #tpu.memory_space<vmem>>, vector<16xf32>,
    %slice3A = vector.extract_strided_slice %cumsum3A_11 {offsets = [15], sizes = [1], strides = [1]} : vector<16xf32> to vector<1xf32>
    %squeeze3A = vector.extract %slice3A[0] : f32 from vector<1xf32>
    %add3A_22 = arith.constant 0.000000e+00 : f32
    %add3A_23 = arith.addf %add3A_22, %squeeze3A : f32
    %get3A_24 = arith.constant 16 : index
    %get3A_25 = tpu.vector_load %arg6[%get3A_24] {strides = array<i32>} : memref<192xf32, #tpu.memory_space<vmem>>, vector<16xf32>,
    %exp3A_26 = math.exp %get3A_25 : vector<16xf32>
    %get3A_27 = arith.constant 144 : index
    %get3A_28 = tpu.vector_load %arg6[%get3A_27] {strides = array<i32>} : memref<192xf32, #tpu.memory_space<vmem>>, vector<16xf32>,
    %mul3A_29 = arith.mulf %exp3A_26, %get3A_28 : vector<16xf32>
    %cumsum3A_30 = arith.constant true
    %cumsum3A_31 = vector.broadcast %cumsum3A_30 : i1 to vector<16xi1>
    %cumsum3A_32 = tpu.scan <sum>, %mul3A_29 masked %cumsum3A_31 : vector<16xf32>, vector<16xi1> -> vector<16xf32>
    %swap3A_33 = arith.constant 16 : index
    %swap3A_34 = tpu.vector_load %arg7[%swap3A_33] {strides = array<i32>} : memref<64xf32, #tpu.memory_space<vmem>>, vector<16xf32>,
    tpu.vector_store %arg7[%swap3A_33], %exp3A_26 {strides = array<i32>} : memref<64xf32, #tpu.memory_space<vmem>>, vector<16xf32>,
    %sub3A_35 = arith.subf %cumsum3A_32, %mul3A_29 : vector<16xf32>
    %add3A_36 = vector.broadcast %add3A_23 : f32 to vector<16xf32>
    %add3A_37 = arith.addf %sub3A_35, %add3A_36 : vector<16xf32>
    %get3A_38 = arith.constant 80 : index
    %get3A_39 = tpu.vector_load %arg6[%get3A_38] {strides = array<i32>} : memref<192xf32, #tpu.memory_space<vmem>>, vector<16xf32>,
    %mul3A_40 = arith.mulf %exp3A_26, %get3A_39 : vector<16xf32>
    %sub3A_41 = arith.subf %add3A_37, %mul3A_40 : vector<16xf32>
    %swap3A_42 = arith.constant 16 : index
    %swap3A_43 = tpu.vector_load %arg8[%swap3A_42] {strides = array<i32>} : memref<64xf32, #tpu.memory_space<vmem>>, vector<16xf32>,
    tpu.vector_store %arg8[%swap3A_42], %sub3A_41 {strides = array<i32>} : memref<64xf32, #tpu.memory_space<vmem>>, vector<16xf32>,
    %slice3A_44 = vector.extract_strided_slice %cumsum3A_32 {offsets = [15], sizes = [1], strides = [1]} : vector<16xf32> to vector<1xf32>
    %squeeze3A_45 = vector.extract %slice3A_44[0] : f32 from vector<1xf32>
    %add3A_46 = arith.addf %add3A_23, %squeeze3A_45 : f32
    %get3A_47 = arith.constant 32 : index
    %get3A_48 = tpu.vector_load %arg6[%get3A_47] {strides = array<i32>} : memref<192xf32, #tpu.memory_space<vmem>>, vector<16xf32>,
    %exp3A_49 = math.exp %get3A_48 : vector<16xf32>
    %get3A_50 = arith.constant 160 : index
    %get3A_51 = tpu.vector_load %arg6[%get3A_50] {strides = array<i32>} : memref<192xf32, #tpu.memory_space<vmem>>, vector<16xf32>,
    %mul3A_52 = arith.mulf %exp3A_49, %get3A_51 : vector<16xf32>
    %cumsum3A_53 = arith.constant true
    %cumsum3A_54 = vector.broadcast %cumsum3A_53 : i1 to vector<16xi1>
    %cumsum3A_55 = tpu.scan <sum>, %mul3A_52 masked %cumsum3A_54 : vector<16xf32>, vector<16xi1> -> vector<16xf32>
    %swap3A_56 = arith.constant 32 : index
    %swap3A_57 = tpu.vector_load %arg7[%swap3A_56] {strides = array<i32>} : memref<64xf32, #tpu.memory_space<vmem>>, vector<16xf32>,
    tpu.vector_store %arg7[%swap3A_56], %exp3A_49 {strides = array<i32>} : memref<64xf32, #tpu.memory_space<vmem>>, vector<16xf32>,
    %sub3A_58 = arith.subf %cumsum3A_55, %mul3A_52 : vector<16xf32>
    %add3A_59 = vector.broadcast %add3A_46 : f32 to vector<16xf32>
    %add3A_60 = arith.addf %sub3A_58, %add3A_59 : vector<16xf32>
    %get3A_61 = arith.constant 96 : index
    %get3A_62 = tpu.vector_load %arg6[%get3A_61] {strides = array<i32>} : memref<192xf32, #tpu.memory_space<vmem>>, vector<16xf32>,
    %mul3A_63 = arith.mulf %exp3A_49, %get3A_62 : vector<16xf32>
    %sub3A_64 = arith.subf %add3A_60, %mul3A_63 : vector<16xf32>
    %swap3A_65 = arith.constant 32 : index
    %swap3A_66 = tpu.vector_load %arg8[%swap3A_65] {strides = array<i32>} : memref<64xf32, #tpu.memory_space<vmem>>, vector<16xf32>,
    tpu.vector_store %arg8[%swap3A_65], %sub3A_64 {strides = array<i32>} : memref<64xf32, #tpu.memory_space<vmem>>, vector<16xf32>,
    %slice3A_67 = vector.extract_strided_slice %cumsum3A_55 {offsets = [15], sizes = [1], strides = [1]} : vector<16xf32> to vector<1xf32>
    %squeeze3A_68 = vector.extract %slice3A_67[0] : f32 from vector<1xf32>
    %add3A_69 = arith.addf %add3A_46, %squeeze3A_68 : f32
    %get3A_70 = arith.constant 48 : index
    %get3A_71 = tpu.vector_load %arg6[%get3A_70] {strides = array<i32>} : memref<192xf32, #tpu.memory_space<vmem>>, vector<16xf32>,
    %exp3A_72 = math.exp %get3A_71 : vector<16xf32>
    %get3A_73 = arith.constant 176 : index
    %get3A_74 = tpu.vector_load %arg6[%get3A_73] {strides = array<i32>} : memref<192xf32, #tpu.memory_space<vmem>>, vector<16xf32>,
    %mul3A_75 = arith.mulf %exp3A_72, %get3A_74 : vector<16xf32>
    %cumsum3A_76 = arith.constant true
    %cumsum3A_77 = vector.broadcast %cumsum3A_76 : i1 to vector<16xi1>
    %cumsum3A_78 = tpu.scan <sum>, %mul3A_75 masked %cumsum3A_77 : vector<16xf32>, vector<16xi1> -> vector<16xf32>
    %swap3A_79 = arith.constant 48 : index
    %swap3A_80 = tpu.vector_load %arg7[%swap3A_79] {strides = array<i32>} : memref<64xf32, #tpu.memory_space<vmem>>, vector<16xf32>,
    tpu.vector_store %arg7[%swap3A_79], %exp3A_72 {strides = array<i32>} : memref<64xf32, #tpu.memory_space<vmem>>, vector<16xf32>,
    %sub3A_81 = arith.subf %cumsum3A_78, %mul3A_75 : vector<16xf32>
    %add3A_82 = vector.broadcast %add3A_69 : f32 to vector<16xf32>
    %add3A_83 = arith.addf %sub3A_81, %add3A_82 : vector<16xf32>
    %get3A_84 = arith.constant 112 : index
    %get3A_85 = tpu.vector_load %arg6[%get3A_84] {strides = array<i32>} : memref<192xf32, #tpu.memory_space<vmem>>, vector<16xf32>,
    %mul3A_86 = arith.mulf %exp3A_72, %get3A_85 : vector<16xf32>
    %sub3A_87 = arith.subf %add3A_83, %mul3A_86 : vector<16xf32>
    %swap3A_88 = arith.constant 48 : index
    %swap3A_89 = tpu.vector_load %arg8[%swap3A_88] {strides = array<i32>} : memref<64xf32, #tpu.memory_space<vmem>>, vector<16xf32>,
    tpu.vector_store %arg8[%swap3A_88], %sub3A_87 {strides = array<i32>} : memref<64xf32, #tpu.memory_space<vmem>>, vector<16xf32>,
    %slice3A_90 = vector.extract_strided_slice %cumsum3A_78 {offsets = [15], sizes = [1], strides = [1]} : vector<16xf32> to vector<1xf32>
    %squeeze3A_91 = vector.extract %slice3A_90[0] : f32 from vector<1xf32>
    %add3A_92 = arith.addf %add3A_69, %squeeze3A_91 : f32
    %dma_wait3A = arith.constant 0 : i32
    %dma_wait3A_93 = tpu.memref_slice %arg3[%dma_wait3A, %mul3A_2] : memref<2x16384xi32, #tpu.memory_space<hbm>> -> memref<2x1024xi32, #tpu.memory_space<hbm>>
    %dma_wait3A_94 = arith.constant 0 : i32
    %dma_wait3A_95 = tpu.memref_slice %arg3[%dma_wait3A_94, %mul3A_2] : memref<2x16384xi32, #tpu.memory_space<hbm>> -> memref<2x1024xi32, #tpu.memory_space<hbm>>
    tpu.wait_dma2 semaphore(%arg13 : memref<!tpu.dma_semaphore, #tpu.memory_space<semaphore_mem>>) src(%dma_wait3A_95 : memref<2x1024xi32, #tpu.memory_space<hbm>>) dst(%arg9 : memref<2x1024xi32, #tpu.memory_space<vmem>>)
    %parallel_loop3A = arith.constant 0 : i32
    %parallel_loop3A_96 = arith.constant 1024 : i32
    %parallel_loop3A_97 = arith.constant 16 : i32
    scf.for %parallel_loop3A_106 = %parallel_loop3A to %parallel_loop3A_96 step %parallel_loop3A_97  : i32 {
      %parallel_loop3A_107 = arith.constant 0 : i32
      %parallel_loop3A_108 = arith.index_cast %parallel_loop3A_107 : i32 to index
      %parallel_loop3A_109 = arith.index_cast %parallel_loop3A_106 : i32 to index
      %parallel_loop3A_110 = tpu.vector_load %arg9[%parallel_loop3A_108, %parallel_loop3A_109] {strides = array<i32>} : memref<2x1024xi32, #tpu.memory_space<vmem>>, vector<16xi32>,
      %parallel_loop3A_111 = arith.constant 1 : i32
      %parallel_loop3A_112 = arith.index_cast %parallel_loop3A_111 : i32 to index
      %parallel_loop3A_113 = arith.index_cast %parallel_loop3A_106 : i32 to index
      %parallel_loop3A_114 = tpu.vector_load %arg9[%parallel_loop3A_112, %parallel_loop3A_113] {strides = array<i32>} : memref<2x1024xi32, #tpu.memory_space<vmem>>, vector<16xi32>,
      %parallel_loop3A_115 = vector.bitcast %parallel_loop3A_114 : vector<16xi32> to vector<16xf32>
      %parallel_loop3A_116 = tpu.vector_load_idx %arg6[%parallel_loop3A_110] : memref<192xf32, #tpu.memory_space<vmem>>[vector<16xi32>], vector<16xf32>,
      %parallel_loop3A_117 = arith.index_cast %parallel_loop3A_106 : i32 to index
      %parallel_loop3A_118 = tpu.vector_load %arg10[%parallel_loop3A_117] {strides = array<i32>} : memref<1024xf32, #tpu.memory_space<vmem>>, vector<16xf32>,
      tpu.vector_store %arg10[%parallel_loop3A_117], %parallel_loop3A_116 {strides = array<i32>} : memref<1024xf32, #tpu.memory_space<vmem>>, vector<16xf32>,
      %parallel_loop3A_119 = tpu.vector_load_idx %arg7[%parallel_loop3A_110] : memref<64xf32, #tpu.memory_space<vmem>>[vector<16xi32>], vector<16xf32>,
      %parallel_loop3A_120 = tpu.vector_load_idx %arg8[%parallel_loop3A_110] : memref<64xf32, #tpu.memory_space<vmem>>[vector<16xi32>], vector<16xf32>,
      %parallel_loop3A_121 = arith.mulf %parallel_loop3A_119, %parallel_loop3A_115 : vector<16xf32>
      %parallel_loop3A_122 = arith.addf %parallel_loop3A_121, %parallel_loop3A_120 : vector<16xf32>
      %parallel_loop3A_123 = arith.index_cast %parallel_loop3A_106 : i32 to index
      %parallel_loop3A_124 = tpu.vector_load %arg11[%parallel_loop3A_123] {strides = array<i32>} : memref<1024xf32, #tpu.memory_space<vmem>>, vector<16xf32>,
      tpu.vector_store %arg11[%parallel_loop3A_123], %parallel_loop3A_122 {strides = array<i32>} : memref<1024xf32, #tpu.memory_space<vmem>>, vector<16xf32>,
    } {sc.loop_unroll_factor = 4 : i64, sc.parallel_access}
    %dma_start3A_98 = tpu.memref_slice %arg4[%mul3A_2] : memref<16384xf32, #tpu.memory_space<hbm>> -> memref<1024xf32, #tpu.memory_space<hbm>>
    %dma_start3A_99 = tpu.memref_slice %arg4[%mul3A_2] : memref<16384xf32, #tpu.memory_space<hbm>> -> memref<1024xf32, #tpu.memory_space<hbm>>
    tpu.enqueue_dma source(%arg10 : memref<1024xf32, #tpu.memory_space<vmem>>) target(%dma_start3A_99 : memref<1024xf32, #tpu.memory_space<hbm>>) target_semaphore(%arg14 : memref<!tpu.dma_semaphore, #tpu.memory_space<semaphore_mem>>)
    %dma_start3A_100 = tpu.memref_slice %arg5[%mul3A_2] : memref<16384xf32, #tpu.memory_space<hbm>> -> memref<1024xf32, #tpu.memory_space<hbm>>
    %dma_start3A_101 = tpu.memref_slice %arg5[%mul3A_2] : memref<16384xf32, #tpu.memory_space<hbm>> -> memref<1024xf32, #tpu.memory_space<hbm>>
    tpu.enqueue_dma source(%arg11 : memref<1024xf32, #tpu.memory_space<vmem>>) target(%dma_start3A_101 : memref<1024xf32, #tpu.memory_space<hbm>>) target_semaphore(%arg15 : memref<!tpu.dma_semaphore, #tpu.memory_space<semaphore_mem>>)
    %dma_wait3A_102 = tpu.memref_slice %arg4[%mul3A_2] : memref<16384xf32, #tpu.memory_space<hbm>> -> memref<1024xf32, #tpu.memory_space<hbm>>
    %dma_wait3A_103 = tpu.memref_slice %arg4[%mul3A_2] : memref<16384xf32, #tpu.memory_space<hbm>> -> memref<1024xf32, #tpu.memory_space<hbm>>
    tpu.wait_dma2 semaphore(%arg14 : memref<!tpu.dma_semaphore, #tpu.memory_space<semaphore_mem>>) src(%arg10 : memref<1024xf32, #tpu.memory_space<vmem>>) dst(%dma_wait3A_103 : memref<1024xf32, #tpu.memory_space<hbm>>)
    %dma_wait3A_104 = tpu.memref_slice %arg5[%mul3A_2] : memref<16384xf32, #tpu.memory_space<hbm>> -> memref<1024xf32, #tpu.memory_space<hbm>>
    %dma_wait3A_105 = tpu.memref_slice %arg5[%mul3A_2] : memref<16384xf32, #tpu.memory_space<hbm>> -> memref<1024xf32, #tpu.memory_space<hbm>>
    tpu.wait_dma2 semaphore(%arg15 : memref<!tpu.dma_semaphore, #tpu.memory_space<semaphore_mem>>) src(%arg11 : memref<1024xf32, #tpu.memory_space<vmem>>) dst(%dma_wait3A_105 : memref<1024xf32, #tpu.memory_space<hbm>>)
    return
  }
}

</mosaic_0001>

<sc_bundles>
// kernel: kernel.3.cloned.1.call-start
scs
__scs_entry_jumppad:
0x0: {  	(pc) =	sbr.rel $0x88, $3  }
0x1: {  	(tag) =	ssettag $0x0;
	lr =	simm.s32 $0x1  }
0x2: {  	[smem:$0x3F9C] =	sst lr;
	_ =	strace $0xD0000000  }
0x3: {  	_ = 	snop  }
0x4: {  	_ = 	snop  }
0x5: {  	_ = 	snop  }
0x6: {  	_ = 	snop  }
0x7: {  	_ = 	snop  }
__scs_overlays_trampoline_lowered:
0x8: {  	[smem:$0x3FAB] =	sst s0  }
0x9: {  	[smem:$0x3FAC] =	sst s1  }
0xa: {  	[smem:$0x3FAD] =	sst s2  }
0xb: {  	[smem:$0x3FAE] =	sst s3  }
0xc: {  	[smem:$0x3FAF] =	sst s4  }
0xd: {  	[smem:$0x3FB0] =	sst s5  }
0xe: {  	[smem:$0x3FB1] =	sst s6  }
0xf: {  	[smem:$0x3FB2] =	sst s7  }
0x10: {  	[smem:$0x3FB3] =	sst s8  }
0x11: {  	[smem:$0x3FB4] =	sst s9;
	s0 =	simm.s32 @!p0 $0x0  }
0x12: {  	s1 =	sld [smem:$0x3F9A];
	s0 =	simm.s32 @p0 $0x1  }
0x13: {  	[smem:$0x3FB5] =	sst s0;
	s0 =	simm.s32 @!p1 $0x0  }
0x14: {  	s2 =	sld [smem:$0x3F99];
	s0 =	simm.s32 @p1 $0x1  }
0x15: {  	[smem:$0x3FB6] =	sst s0;
	s0 =	simm.s32 @!p2 $0x0  }
0x16: {  	s3 =	sld [smem:$0x3FDB];
	s0 =	simm.s32 @p2 $0x1  }
0x17: {  	s4 =	simm.s32 $0x1BF5;
	[smem:$0x3FB8] =	sst s0  }
0x18: {  	s0 =	sld [smem:$0x3F9B];
	_ =	swait.ge [sflag:s4], $0x0  }
0x19: {  	s7 =	sld [smem:$0x3F9C]  }
0x1a: {  	s8 =	sadd.s32 $0xFFFFE003, lr  }
0x1b: {  	s9 =	sadd.s32 $0xFFFFFEF7, lr;
	s5 =	simm.s32 $0xFFFFFFFF;
	p2 =	slt.u32 s8, $0xFFFFF086  }
0x1c: {  	p1 =	slt.u32 s9, $0xF7A;
	s5 =	simm.s32 @!p2 $0x0  }
0x1d: {  	s5 =	simm.s32 @p1 $0x1;
	p0 =	seq.s32 s7, s2  }
0x1e: {  	s7 =	smul.u32 @!p0 $0xF7A, s2;
	p2 =	seq.s32 @!p0 s5, $0x0  }
0x1f: {  	s9 =	smul.u32 $0xF7A, s1;
	s8 =	simm.s32 @!p0 $0x1BF5;
	p2 =	por !p2, p0  }
0x20: {  	[sflag:s8] =	ssyncset.s32 @!p0 $0xFFFFF086;
	s6 =	sadd.s32 @!p0 s3, s7;
	s7 =	simm.s32 @!p0 $0x108  }
0x21: {  	s3 =	sadd.s32 s3, s9;
	s6 =	sadd.s32 @!p0 $0x88, s6;
	s7 =	simm.s32 @p2 $0x1082  }
0x22: {  	[simem:s7], [sflag:s8] =	dma.local @!p0 [hbm:s6], $0xF7A  }
0x23: {  	s9 =	sor.u32 $0xD0000000, s2;
	s6 =	simm.s32 $0x108;
	_ =	swait.ge @!p0 [sflag:s8], $0x0  }
0x24: {  	s3 =	sadd.s32 $0x88, s3;
	s6 =	simm.s32 @!p1 $0x1082;
	[sflag:s4] =	ssyncset.s32 $0xFFFFF086  }
0x25: {  	[simem:s6], [sflag:s4] =	dma.local [hbm:s3], $0xF7A  }
0x26: {  	[smem:$0x3F9C] =	sst s1;
	(tag) =	ssettag s2;
	_ =	strace s9  }
0x27: {  	s1 =	sld [smem:$0x3FAC]  }
0x28: {  	s2 =	sld [smem:$0x3FAD]  }
0x29: {  	s4 =	sld [smem:$0x3FAF]  }
0x2a: {  	p0 =	seq.s32 s5, $0x0;
	s5 =	sld [smem:$0x3FB0]  }
0x2b: {  	s6 =	sld [smem:$0x3FB1]  }
0x2c: {  	s7 =	sld [smem:$0x3FB2]  }
0x2d: {  	s3 =	simm.s32 $0x108;
	s8 =	sld [smem:$0x3FB3]  }
0x2e: {  	s3 =	simm.s32 @!p0 $0x1082;
	s9 =	sld [smem:$0x3FB4]  }
0x2f: {  	lr =	sadd.s32 s0, s3;
	s0 =	sld [smem:$0x3FAB]  }
0x30: {  	s3 =	sld [smem:$0x3FAE]  }
0x31: {  	[smem:$0x3FB7] =	sst s10  }
0x32: {  	s10 =	sld [smem:$0x3FB5];
	_ =	sdelay $0x3  }
0x33: {  	p0 =	seq.s32 s10, $0x1;
	s10 =	sld [smem:$0x3FB7];
	_ =	sdelay $0x3  }
0x34: {  	[smem:$0x3FB7] =	sst s10  }
0x35: {  	s10 =	sld [smem:$0x3FB6];
	_ =	sdelay $0x3  }
0x36: {  	p1 =	seq.s32 s10, $0x1;
	s10 =	sld [smem:$0x3FB7];
	_ =	sdelay $0x3  }
0x37: {  	[smem:$0x3FB7] =	sst s10  }
0x38: {  	s10 =	sld [smem:$0x3FB8]  }
0x39: {  	_ = 	snop;
	(pc) =	sbr.ind lr, $3  }
0x3a: {  	_ = 	snop  }
0x3b: {  	_ = 	snop  }
0x3c: {  	p2 =	seq.s32 s10, $0x1;
	s10 =	sld [smem:$0x3FB7]  }
0x3d: {  	_ =	shalt  }
0x3e: {  	_ =	shalt  }
0x3f: {  	_ =	shalt  }
0x40: {  	_ =	shalt  }
0x41: {  	_ =	shalt  }
0x42: {  	_ =	shalt  }
0x43: {  	_ =	shalt  }
0x44: {  	_ =	shalt  }
0x45: {  	_ =	shalt  }
0x46: {  	_ =	shalt  }
0x47: {  	_ =	shalt  }
0x48: {  	_ =	shalt  }
0x49: {  	_ =	shalt  }
0x4a: {  	_ =	shalt  }
0x4b: {  	_ =	shalt  }
0x4c: {  	_ =	shalt  }
0x4d: {  	_ =	shalt  }
0x4e: {  	_ =	shalt  }
0x4f: {  	_ =	shalt  }
0x50: {  	_ =	shalt  }
0x51: {  	_ =	shalt  }
0x52: {  	_ =	shalt  }
0x53: {  	_ =	shalt  }
0x54: {  	_ =	shalt  }
0x55: {  	_ =	shalt  }
0x56: {  	_ =	shalt  }
0x57: {  	_ =	shalt  }
0x58: {  	_ =	shalt  }
0x59: {  	_ =	shalt  }
0x5a: {  	_ =	shalt  }
0x5b: {  	_ =	shalt  }
0x5c: {  	_ =	shalt  }
0x5d: {  	_ =	shalt  }
0x5e: {  	_ =	shalt  }
0x5f: {  	_ =	shalt  }
0x60: {  	_ =	shalt  }
0x61: {  	_ =	shalt  }
0x62: {  	_ =	shalt  }
0x63: {  	_ =	shalt  }
0x64: {  	_ =	shalt  }
0x65: {  	_ =	shalt  }
0x66: {  	_ =	shalt  }
0x67: {  	_ =	shalt  }
0x68: {  	_ =	shalt  }
0x69: {  	_ =	shalt  }
0x6a: {  	_ =	shalt  }
0x6b: {  	_ =	shalt  }
0x6c: {  	_ =	shalt  }
0x6d: {  	_ =	shalt  }
0x6e: {  	_ =	shalt  }
0x6f: {  	_ =	shalt  }
0x70: {  	_ =	shalt  }
0x71: {  	_ =	shalt  }
0x72: {  	_ =	shalt  }
0x73: {  	_ =	shalt  }
0x74: {  	_ =	shalt  }
0x75: {  	_ =	shalt  }
0x76: {  	_ =	shalt  }
0x77: {  	_ =	shalt  }
0x78: {  	_ =	shalt  }
0x79: {  	_ =	shalt  }
0x7a: {  	_ =	shalt  }
0x7b: {  	_ =	shalt  }
0x7c: {  	_ =	shalt  }
0x7d: {  	_ =	shalt  }
0x7e: {  	_ =	shalt  }
0x7f: {  	_ =	shalt  }
0x80: {  	_ =	shalt  }
0x81: {  	_ =	shalt  }
0x82: {  	_ =	shalt  }
0x83: {  	_ =	shalt  }
0x84: {  	_ =	shalt  }
0x85: {  	_ =	shalt  }
0x86: {  	_ =	shalt  }
0x87: {  	_ =	shalt  }
.Lfunc_end0:
.L_simem_size_0:
called_computation_lowered:
.L_overlay_start_0:
0x88: {  	s0 =	sld [smem:$0x3FD9]  }
0x89: {  	s1 =	sld [smem:$0x3FFE];
	_ =	sdelay $0x3  }
0x8a: {  	s0 =	sadd.s32 s1, s0  }
0x8b: {  	[smem:$0x3FC3] =	sst s0  }
0x8c: {  	_ = 	snop  }
0x8d: {  	s0 =	sld [smem:$0x3FD0];
	_ =	sdelay $0x2  }
0x8e: {  	s13 =	simm.s32 $0xA;
	s2 =	simm.s32 $0x10  }
0x8f: {  	[smem:s2], [sflag:s13] =	dma.local [hbm:s0], $0x1  }
0x90: {  	_ =	swait.eq [sflag:s13], $0x1  }
0x91: {  	[sflag:s13] =	ssyncset.done $0x0  }
0x92: {  	s14 =	sld [smem:$0x10];
	[sflag:s13] =	ssyncadd.s32 $0xFFFFFFFF  }
0x93: {  	s15 =	sld [smem:$0x11];
	(tm) =	ssettm $0x1  }
0x94: {  	s16 =	sld [smem:$0x3FFB];
	_ =	sdelay $0x3  }
0x95: {  	_ =	strace s16  }
0x96: {  	s2 =	sld [smem:$0x3FFC];
	_ =	sdelay $0x3  }
0x97: {  	_ =	strace s2  }
0x98: {  	s2 =	sld [smem:$0x3FFD];
	_ =	sdelay $0x3  }
0x99: {  	_ =	strace s2  }
0x9a: {  	_ =	strace $0x8FFFFFFF  }
0x9b: {  	s17 =	sld [smem:$0x3FDB];
	_ =	sdelay $0x1  }
0x9c: {  	s3 =	simm.s32 $_scs_section_size  }
0x9d: {  	s4 =	simm.s32 $_size__tile_overlayer_lowered;
	s5 =	simm.s32 $_tile_overlayer_lowered  }
0x9e: {  	s20 =	simm.s32 $0x1BFF;
	s19 =	sshll.u32 s5, $0x1;
	s2 =	sadd.s32 s3, s17  }
0x9f: {  	s6 =	simm.s32 $0x0;
	s18 =	sshll.u32 s4, $0x1;
	s4 =	sadd.s32 s19, s2  }
0xa0: {  	[timem:s6], [sflag:s20] =	dma.local [hbm:s4], s18  }
0xa1: {  	_ =	swait.ge [sflag:s20], s18  }
0xa2: {  	s3 =	ssub.s32 $0x0, s18;
	[sflag:s20] =	ssyncset.done $0x0  }
0xa3: {  	[sflag:s20] =	ssyncadd.s32 s3;
	_ =	sdelay $0x1  }
0xa4: {  	s21 =	simm.s32 $0x1B8B  }
0xa5: {  	_ =	swait.ge [sflag:s21], $0x1  }
0xa6: {  	[sflag:s21] =	ssyncset.done $0x0  }
0xa7: {  	s23 =	simm.s32 $0x1B8E;
	s22 =	sld [smem:$0x3FFE];
	[sflag:s21] =	ssyncadd.s32 $0xFFFFFFFF  }
0xa8: {  	s24 =	simm.s32 $execute0_lowered;
	[smem:$0x3FD2] =	sst s23  }
0xa9: {  	s4 =	sshll.u32 s24, $0x1;
	_ =	strace $0x80000046;
	[dreg:$0x1] =	wrdreg $0xFFFFFFFF  }
0xaa: {  	s25 =	simm.s32 $_size_execute0_lowered;
	s2 =	sadd.s32 s2, s4;
	[dreg:$0x0] =	wrdreg $0x0  }
0xab: {  	s4 =	sshll.u32 s25, $0x1;
	[dreg:$0x2] =	wrdreg s2  }
0xac: {  	[dreg:$0x3] =	wrdreg s4  }
0xad: {  	[dreg:$0x4] =	wrdreg $0xC0  }
0xae: {  	_ =	task [dreg:s6], $0x5FFFF  }
0xaf: {  	[dreg:$0x1] =	wrdreg $0xFFFFFFFF  }
0xb0: {  	[dreg:$0x0] =	wrdreg $0x60  }
0xb1: {  	[dreg:$0x2] =	wrdreg s22  }
0xb2: {  	[dreg:$0x3] =	wrdreg s14  }
0xb3: {  	[dreg:$0x4] =	wrdreg s15  }
0xb4: {  	[dreg:$0x5] =	wrdreg $0x9  }
0xb5: {  	_ =	task.clear_ibuf [dreg:s6], $0x6FFFF;
	_ =	strace $0x90000046  }
0xb6: {  	s26 =	simm.s32 $0x9;
	_ =	strace $0x80000048  }
0xb7: {  	_ =	swait.ge [sflag:s26], $0x1  }
0xb8: {  	[sflag:s26] =	ssyncadd.s32 $0xFFFFFFFF  }
0xb9: {  	_ =	strace $0x90000048  }
0xba: {  	_ =	sfence  }
0xbb: {  	s28 =	sld [smem:$0x0];
	_ =	sdelay $0x1  }
0xbc: {  	s29 =	srdreg.scid  }
0xbd: {  	s30 =	sshll.u32 s29, $0xD;
	s31 =	sshrl.u32 s29, $0x2  }
0xbe: {  	s1 =	sand.u32 $0x1, s29;
	s2 =	sand.u32 $0x4000, s30;
	s0 =	sadd.s32 s31, s28  }
0xbf: {  	s1 =	sor.u32 s2, s1;
	s0 =	sshll.u32 s0, $0x11  }
0xc0: {  	s0 =	sor.u32 s0, s1  }
0xc1: {  	s0 =	sadd.s32 $0x8F2B, s0  }
0xc2: {  	[sflag:s0] =	ssyncadd.remote.s32 $0x1  }
0xc3: {  	_ =	sfence.sel $0xFFFF  }
0xc4: {  	[dreg:$0x0] =	wrdreg $0xFFFFFFFF;
	(pc) =	sbr.abs _section_cstart, $3  }
0xc5: {  	[dreg:$0x1] =	wrdreg $0xFFFFFFFF  }
0xc6: {  	_ =	task.clear_ibuf [dreg:s6], $0x2FFFF;
	_ =	strace $0x9FFFFFFF  }
0xc7: {  	(tm) =	ssettm $0x7FFFFFFF  }
tec
execute0_lowered:
.L_overlay_start_1:
0x0: {  	(tag) =	ssettag $0x1  }
0x1: {  	s5 =	rddreg [dreg:$0x0]  }
0x2: {  	s3 =	rddreg [dreg:$0x1]  }
0x3: {  	s2 =	rddreg [dreg:$0x2]  }
0x4: {  	s0 =	rddreg [dreg:$0x3];
	s4 =	simm.s32 $0x0;
	s1 =	stileid.u32  }
0x5: {  	[smem:$0x7FF] =	sst s4;
	s6 =	sshll.u32 s1, $0x8  }
0x6: {  	s7 =	sadd.s32 $0x2000, s5;
	_ =	strace $0x80000047;
	s5 =	sadd.s32 s6, s5  }
0x7: {  	[tilespmem:s4], [sflag:$0x1] =	stream.linear.gather [hbm4b:s7+s4], $0x100, $0x38;
	[tilespmem:$0x1200] =	vst v63  }
0x8: {  	s20 =	simm.s32 $0x200;
	s21 =	simm.s32 $0x1;
	s5 =	sadd.s32 $0x1000, s5  }
0x9: {  	[tilespmem:s20], [sflag:$0x2] =	stream.linear.gather [hbm4b:s5+s4], $0x800, $0x38;
	[tilespmem:$0x1200] =	vst v63  }
0xa: {  	_ =	swait.ge [sflag:s21], $0x100  }
0xb: {  	[sflag:s21] =	ssyncset.done $0x0  }
0xc: {  	[sflag:s21] =	ssyncadd.s32 $0xFFFFFF00  }
0xd: {  	v0 =	vld [tilespmem:$0x0];
	_ =	sdelay $0x1  }
0xe: {  	v1 =	vld [tilespmem:$0x10];
	_ =	sdelay $0x1  }
0xf: {  	v2 =	vld [tilespmem:$0x20]  }
0x10: {  	v0 =	vmul.f32 $1.442695020e+00, v0;
	_ =	sdelay $0x1  }
0x11: {  	(erf) = vpow2.f32 v0;
	v0 =	vmul.f32 $1.442695020e+00, v1;
	_ =	sdelay $0x1  }
0x12: {  	(erf) = vpow2.f32 v0;
	v0 =	vmul.f32 $1.442695020e+00, v2;
	_ =	sdelay $0x1  }
0x13: {  	(erf) = vpow2.f32 v0  }
0x14: {  	v1 =	vld [tilespmem:$0x80];
	_ =	sdelay $0x1  }
0x15: {  	v0 =	vld [tilespmem:$0x90];
	_ =	sdelay $0x1  }
0x16: {  	v3 =	vld [tilespmem:$0xA0];
	v2 =	vpop (erf)  }
0x17: {  	v1 =	vmul.f32 v2, v1  }
0x18: {  	v4 =	vpop (erf)  }
0x19: {  	v6 =	vld [tilespmem:$0x30];
	(xrf2) =	vadd.scan.msk.f32 $0xffff, v1;
	v0 =	vmul.f32 v4, v0  }
0x1a: {  	v5 =	vpop (erf)  }
0x1b: {  	(xrf2) =	vadd.scan.msk.f32 $0xffff, v0;
	v3 =	vmul.f32 v5, v3;
	_ =	sdelay $0x1  }
0x1c: {  	(xrf2) =	vadd.scan.msk.f32 $0xffff, v3  }
0x1d: {  	v6 =	vmul.f32 $1.442695020e+00, v6;
	_ =	sdelay $0x1  }
0x1e: {  	(erf) = vpow2.f32 v6;
	_ =	sdelay $0x2  }
0x1f: {  	v6, _, _ =	vpop (xrf2)  }
0x20: {  	(v2sf) =	vpush v6, $0xF  }
0x21: {  	v8 =	vld [tilespmem:$0xB0];
	v7, _, _ =	vpop (xrf2)  }
0x22: {  	(v2sf) =	vpush v7, $0xF  }
0x23: {  	v9, _, _ =	vpop (xrf2)  }
0x24: {  	(v2sf) =	vpush v9, $0xF  }
0x25: {  	v10 =	vpop (erf)  }
0x26: {  	v8 =	vmul.f32 v10, v8;
	_ =	sdelay $0x1  }
0x27: {  	(xrf2) =	vadd.scan.msk.f32 $0xffff, v8;
	_ =	sdelay $0x1  }
0x28: {  	v11 =	vld [tilespmem:$0x40];
	_ =	sdelay $0x1  }
0x29: {  	v12 =	vld [tilespmem:$0x50]  }
0x2a: {  	v1 =	vsub.f32 v6, v1;
	_ =	sdelay $0x1  }
0x2b: {  	v6 =	vld [tilespmem:$0x60];
	v0 =	vsub.f32 v7, v0;
	v1 =	vadd.f32 $0.0e+00, v1;
	v7 =	vmul.f32 v11, v2;
	s22 =	spop (v2sf)  }
0x2c: {  	s5 =	sadd.f32 $0.0e+00, s22  }
0x2d: {  	v11 =	vmul.f32 v12, v4;
	v12 =	vld [tilespmem:$0x70];
	v1 =	vsub.f32 v1, v7;
	s23 =	spop (v2sf)  }
0x2e: {  	[tilespmem:$0x100] =	vst v2;
	v3 =	vsub.f32 v9, v3;
	v2, _, _ =	vpop (xrf2);
	v0 =	vadd.f32 s5, v0;
	s5 =	sadd.f32 s23, s5  }
0x2f: {  	v2 =	vsub.f32 v2, v8;
	s24 =	spop (v2sf)  }
0x30: {  	[tilespmem:$0x180] =	vst v1;
	v0 =	vsub.f32 v0, v11;
	v1 =	vadd.f32 s5, v3;
	v3 =	vmul.f32 v6, v5;
	s5 =	sadd.f32 s24, s5  }
0x31: {  	[tilespmem:$0x110] =	vst v4  }
0x32: {  	[tilespmem:$0x190] =	vst v0;
	v0 =	vsub.f32 v1, v3;
	v1 =	vadd.f32 s5, v2;
	v2 =	vmul.f32 v12, v10  }
0x33: {  	[tilespmem:$0x120] =	vst v5  }
0x34: {  	[tilespmem:$0x1A0] =	vst v0;
	v0 =	vsub.f32 v1, v2  }
0x35: {  	[tilespmem:$0x130] =	vst v10  }
0x36: {  	s25 =	simm.s32 $0x2;
	s26 =	simm.s32 $0x0;
	[tilespmem:$0x1B0] =	vst v0  }
0x37: {  	s28 =	sand.u32 $0x40, s26;
	s8 =	sand.u32 $0x700, s4;
	_ =	swait.ge [sflag:s25], $0x800  }
0x38: {  	s8 =	sadd.s32 $0x200, s8;
	s9 =	sor.u32 $0x30, s28;
	[sflag:s25] =	ssyncset.done $0x0  }
0x39: {  	s29 =	sor.u32 $0x10, s28;
	s10 =	sor.u32 s9, s8;
	[sflag:s25] =	ssyncadd.s32 $0xFFFFF800  }
0x3a: {  	s14 =	sor.u32 $0x20, s28;
	s11 =	sor.u32 s29, s8;
	v0 =	vld [tilespmem:s10+$0x0]  }
0x3b: {  	s12 =	sor.u32 s14, s8;
	v1 =	vld [tilespmem:s11+$0x0]  }
0x3c: {  	s7 =	sor.u32 s28, s8;
	v2 =	vld [tilespmem:s12+$0x0]  }
0x3d: {  	v3 =	vld [tilespmem:s7+$0x0]  }
0x3e: {  	s19 =	simm.s32 $0x80;
	v7 =	vld [tilespmem:s11+$0x80];
	s11 =	simm.s32 $0x40  }
0x3f: {  	s8 =	sand.u32 $0x700, s19;
	v8 =	vld [tilespmem:s12+$0x80];
	s21 =	sand.u32 $0x40, s11  }
0x40: {  	s8 =	sadd.s32 $0x200, s8;
	v10 =	vld [tilespmem:s10+$0x80];
	s23 =	sor.u32 $0x10, s21  }
0x41: {  	v11 =	vld [tilespmem:s7+$0x80];
	s17 =	sor.u32 $0x20, s21;
	s16 =	sor.u32 s23, s8  }
0x42: {  	s22 =	sor.u32 $0x30, s21;
	s18 =	sor.u32 s17, s8;
	v16 =	vld [tilespmem:s16+$0x0]  }
0x43: {  	s15 =	sor.u32 s22, s8;
	s8 =	sor.u32 s21, s8;
	v17 =	vld [tilespmem:s18+$0x0]  }
0x44: {  	v18 =	vld [tilespmem:s8+$0x0]  }
0x45: {  	v19 =	vld [tilespmem:s16+$0x80]  }
0x46: {  	v20 =	vld [tilespmem:s18+$0x80]  }
0x47: {  	v21 =	vld [tilespmem:s8+$0x80]  }
0x48: {  	v25 =	vld [tilespmem:s15+$0x80]  }
0x49: {  	v4 =	vld.idx.msk [tilespmem:v0+s4+$0x0], $0xffff  }
0x4a: {  	v5 =	vld.idx.msk [tilespmem:v1+s4+$0x0], $0xffff  }
0x4b: {  	v6 =	vld.idx.msk [tilespmem:v2+s4+$0x0], $0xffff  }
0x4c: {  	s30 =	sand.u32 $0x380, s26;
	v9 =	vld.idx.msk [tilespmem:v3+s4+$0x0], $0xffff  }
0x4d: {  	s13 =	sor.u32 s30, s9;
	v23 =	vld.idx.msk [tilespmem:v18+s4+$0x0], $0xffff  }
0x4e: {  	s31 =	sor.u32 s30, s29;
	[tilespmem:s13+$0xA00] =	vst v4;
	v4 =	vld.idx.msk [tilespmem:v16+s4+$0x0], $0xffff  }
0x4f: {  	s6 =	simm.s32 $0x100;
	[tilespmem:s31+$0xA00] =	vst v5;
	v5 =	vld.idx.msk [tilespmem:v17+s4+$0x0], $0xffff  }
0x50: {  	v12 =	vld.idx.msk [tilespmem:v0+s6+$0x0], $0xffff  }
0x51: {  	s14 =	sor.u32 s30, s14;
	s5 =	simm.s32 $0x180;
	v13 =	vld.idx.msk [tilespmem:v1+s6+$0x0], $0xffff  }
0x52: {  	s20 =	simm.s32 $0xA00;
	[tilespmem:s14+$0xA00] =	vst v6;
	v14 =	vld.idx.msk [tilespmem:v0+s5+$0x0], $0xffff  }
0x53: {  	[tilespmem:s20+$0x0] =	vst v9;
	v9 =	vld.idx.msk [tilespmem:v2+s6+$0x0], $0xffff  }
0x54: {  	v0 =	vld [tilespmem:s15+$0x0]  }
0x55: {  	s9 =	simm.s32 $0x80;
	s10 =	simm.s32 $0x100;
	v15 =	vld.idx.msk [tilespmem:v3+s6+$0x0], $0xffff  }
0x56: {  	s25 =	sand.u32 $0x40, s9;
	s26 =	sand.u32 $0x700, s10;
	v22 =	vld.idx.msk [tilespmem:v1+s5+$0x0], $0xffff  }
0x57: {  	s28 =	sor.u32 $0x30, s25;
	v24 =	vld.idx.msk [tilespmem:v2+s5+$0x0], $0xffff;
	s15 =	sadd.s32 $0x200, s26  }
0x58: {  	s21 =	sor.u32 $0x20, s25;
	v26 =	vld.idx.msk [tilespmem:v3+s5+$0x0], $0xffff;
	s19 =	sor.u32 s28, s15  }
0x59: {  	s29 =	sor.u32 $0x10, s25;
	s30 =	sor.u32 s21, s15;
	v6 =	vld [tilespmem:s19+$0x0]  }
0x5a: {  	s20 =	sor.u32 s29, s15;
	s15 =	sor.u32 s25, s15;
	v2 =	vld [tilespmem:s30+$0x80]  }
0x5b: {  	s7 =	sand.u32 $0x380, s11;
	s11 =	simm.s32 $0xA40;
	v3 =	vld [tilespmem:s15+$0x80]  }
0x5c: {  	s8 =	sor.u32 s7, s23;
	[tilespmem:s11+$0x0] =	vst v23;
	v1 =	vld.idx.msk [tilespmem:v0+s4+$0x0], $0xffff  }
0x5d: {  	s24 =	sor.u32 s7, s22;
	s7 =	sor.u32 s7, s17;
	[tilespmem:s8+$0xA00] =	vst v4;
	v4 =	vld [tilespmem:s30+$0x0]  }
0x5e: {  	[tilespmem:s7+$0xA00] =	vst v5;
	v5 =	vld [tilespmem:s15+$0x0]  }
0x5f: {  	v23 =	vld.idx.msk [tilespmem:v18+s6+$0x0], $0xffff  }
0x60: {  	v28 =	vld.idx.msk [tilespmem:v16+s6+$0x0], $0xffff  }
0x61: {  	v10 =	vmul.f32 v12, v10;
	v7 =	vmul.f32 v13, v7;
	[tilespmem:s24+$0xA00] =	vst v1;
	v1 =	vld [tilespmem:s20+$0x0]  }
0x62: {  	v30 =	vld.idx.msk [tilespmem:v17+s6+$0x0], $0xffff;
	v8 =	vmul.f32 v9, v8  }
0x63: {  	v9 =	vmul.f32 v15, v11;
	v10 =	vadd.f32 v14, v10;
	v14 =	vld.idx.msk [tilespmem:v16+s5+$0x0], $0xffff;
	v7 =	vadd.f32 v22, v7  }
0x64: {  	v27 =	vld.idx.msk [tilespmem:v0+s6+$0x0], $0xffff  }
0x65: {  	[tilespmem:s31+$0xE00] =	vst v7;
	v7 =	vadd.f32 v26, v9;
	v9 =	vld [tilespmem:s19+$0x80]  }
0x66: {  	v29 =	vld.idx.msk [tilespmem:v0+s5+$0x0], $0xffff  }
0x67: {  	v11 =	vld.idx.msk [tilespmem:v6+s4+$0x0], $0xffff  }
0x68: {  	v8 =	vadd.f32 v24, v8;
	v13 =	vld.idx.msk [tilespmem:v4+s4+$0x0], $0xffff  }
0x69: {  	[tilespmem:s13+$0xE00] =	vst v10;
	v10 =	vmul.f32 v27, v25;
	v16 =	vld.idx.msk [tilespmem:v1+s4+$0x0], $0xffff  }
0x6a: {  	s12 =	simm.s32 $0xE00;
	[tilespmem:s14+$0xE00] =	vst v8;
	s31 =	sand.u32 $0x380, s9;
	v12 =	vld.idx.msk [tilespmem:v5+s4+$0x0], $0xffff  }
0x6b: {  	s13 =	sor.u32 s31, s28;
	[tilespmem:s12+$0x0] =	vst v7;
	v0 =	vld [tilespmem:s20+$0x80];
	v8 =	vadd.f32 v29, v10  }
0x6c: {  	v15 =	vmul.f32 v28, v19;
	[tilespmem:s13+$0xA00] =	vst v11;
	v10 =	vld.idx.msk [tilespmem:v17+s5+$0x0], $0xffff  }
0x6d: {  	s14 =	sor.u32 s31, s29;
	v7 =	vmul.f32 v23, v21;
	v11 =	vld.idx.msk [tilespmem:v18+s5+$0x0], $0xffff;
	[tilespmem:s24+$0xE00] =	vst v8  }
0x6e: {  	s15 =	sor.u32 s31, s21;
	v15 =	vadd.f32 v14, v15;
	v14 =	vld.idx.msk [tilespmem:v6+s6+$0x0], $0xffff;
	v8 =	vmul.f32 v30, v20;
	[tilespmem:s14+$0xA00] =	vst v16  }
.LBB2_1:
0x6f: {  	s9 =	sadd.s32 $0x40, s9;
	v16 =	vld.idx.msk [tilespmem:v1+s6+$0x0], $0xffff;
	[tilespmem:s15+$0xA00] =	vst v13;
	s10 =	sadd.s32 $0x80, s10;
	s11 =	sadd.s32 $0x40, s11  }
0x70: {  	s16 =	sand.u32 $0x40, s9;
	s17 =	sand.u32 $0x700, s10;
	p0 =	slt.u32 s9, $0x3C0;
	[tilespmem:s11+$0x0] =	vst v12;
	v12 =	vld.idx.msk [tilespmem:v6+s5+$0x0], $0xffff  }
0x71: {  	v8 =	vadd.f32 v10, v8;
	s17 =	sadd.s32 $0x200, s17;
	s18 =	sor.u32 $0x10, s16;
	s19 =	sor.u32 $0x30, s16;
	v13 =	vld.idx.msk [tilespmem:v4+s6+$0x0], $0xffff;
	[tilespmem:s8+$0xE00] =	vst v15  }
0x72: {  	s21 =	sor.u32 $0x20, s16;
	v7 =	vadd.f32 v11, v7;
	s20 =	sor.u32 s18, s17;
	s22 =	sor.u32 s19, s17;
	v10 =	vld.idx.msk [tilespmem:v5+s6+$0x0], $0xffff  }
0x73: {  	s12 =	sadd.s32 $0x40, s12;
	s16 =	sor.u32 s16, s17;
	s17 =	sor.u32 s21, s17;
	v6 =	vld [tilespmem:s22+$0x0];
	[tilespmem:s7+$0xE00] =	vst v8  }
0x74: {  	s8 =	smov.u32 s14;
	v8 =	vmul.f32 v14, v9;
	s7 =	smov.u32 s15;
	v11 =	vld [tilespmem:s20+$0x0];
	[tilespmem:s12+$0x0] =	vst v7  }
0x75: {  	v14 =	vmul.f32 v16, v0;
	v9 =	vld [tilespmem:s17+$0x0]  }
0x76: {  	v12 =	vadd.f32 v12, v8;
	v16 =	vld [tilespmem:s16+$0x0]  }
0x77: {  	v8 =	vmul.f32 v13, v2;
	v0 =	vld [tilespmem:s20+$0x80]  }
0x78: {  	v7 =	vmul.f32 v10, v3;
	v2 =	vld [tilespmem:s17+$0x80];
	[tilespmem:s13+$0xE00] =	vst v12  }
0x79: {  	v3 =	vld [tilespmem:s16+$0x80]  }
0x7a: {  	v15 =	vld.idx.msk [tilespmem:v1+s5+$0x0], $0xffff;
	v1 =	vmov v11  }
0x7b: {  	v17 =	vld.idx.msk [tilespmem:v6+s4+$0x0], $0xffff  }
0x7c: {  	v18 =	vld.idx.msk [tilespmem:v11+s4+$0x0], $0xffff  }
0x7d: {  	v13 =	vld.idx.msk [tilespmem:v9+s4+$0x0], $0xffff  }
.Ltmp0:
0x7e: {  	v12 =	vld.idx.msk [tilespmem:v16+s4+$0x0], $0xffff;
	(pc) =	sbr.rel @p0 .LBB2_1-.Ltmp0, $4  }
0x7f: {  	s13 =	sand.u32 $0x380, s9;
	v10 =	vld.idx.msk [tilespmem:v4+s5+$0x0], $0xffff;
	v4 =	vmov v9  }
0x80: {  	s14 =	sor.u32 s13, s18;
	s15 =	sor.u32 s13, s21;
	s13 =	sor.u32 s13, s19;
	v15 =	vadd.f32 v15, v14;
	v11 =	vld.idx.msk [tilespmem:v5+s5+$0x0], $0xffff;
	v5 =	vmov v16  }
0x81: {  	v9 =	vld [tilespmem:s22+$0x80];
	[tilespmem:s13+$0xA00] =	vst v17  }
0x82: {  	[tilespmem:s14+$0xA00] =	vst v18;
	v14 =	vld.idx.msk [tilespmem:v6+s6+$0x0], $0xffff  }
0x83: {  	_ =	sdelay $0x3  }
0x84: {  	v16 =	vld.idx.msk [tilespmem:v1+s6+$0x0], $0xffff  }
0x85: {  	v6 =	vld.idx.msk [tilespmem:v6+s5+$0x0], $0xffff  }
0x86: {  	[tilespmem:s15+$0xA00] =	vst v13;
	s4 =	sadd.s32 $0x40, s11;
	v59 =	vld.idx.msk [tilespmem:v1+s5+$0x0], $0xffff  }
0x87: {  	[tilespmem:s4+$0x0] =	vst v12;
	v57 =	vld.idx.msk [tilespmem:v4+s6+$0x0], $0xffff  }
0x88: {  	v58 =	vld.idx.msk [tilespmem:v5+s6+$0x0], $0xffff  }
0x89: {  	v60 =	vld.idx.msk [tilespmem:v4+s5+$0x0], $0xffff  }
0x8a: {  	v8 =	vadd.f32 v10, v8;
	v61 =	vld.idx.msk [tilespmem:v5+s5+$0x0], $0xffff;
	v9 =	vmul.f32 v14, v9  }
0x8b: {  	[tilespmem:s8+$0xE00] =	vst v15;
	v7 =	vadd.f32 v11, v7;
	v0 =	vmul.f32 v16, v0  }
0x8c: {  	s24 =	sadd.s32 $0x40, s12;
	[tilespmem:s7+$0xE00] =	vst v8;
	v6 =	vadd.f32 v6, v9;
	v2 =	vmul.f32 v57, v2  }
0x8d: {  	[tilespmem:s24+$0x0] =	vst v7;
	v3 =	vmul.f32 v58, v3;
	v0 =	vadd.f32 v59, v0  }
0x8e: {  	[tilespmem:s13+$0xE00] =	vst v6;
	v62 =	vadd.f32 v60, v2  }
0x8f: {  	[tilespmem:s14+$0xE00] =	vst v0;
	v63 =	vadd.f32 v61, v3  }
0x90: {  	s25 =	sshll.u32 s1, $0x7;
	s4 =	sadd.s32 $0x40, s24;
	[tilespmem:s15+$0xE00] =	vst v62  }
0x91: {  	s26 =	simm.s32 $0x0;
	s28 =	simm.s32 $0xA00;
	s3 =	sadd.s32 s3, s25;
	[tilespmem:s4+$0x0] =	vst v63  }
0x92: {  	[hbm4b:s3+s26] =	stream.linear.scatter [tilespmem:s28], [sflag:$0x3], $0x400, $0x38;
	[tilespmem:$0x1200] =	vst v63  }
0x93: {  	s29 =	simm.s32 $0xE00;
	s30 =	simm.s32 $0x3;
	s2 =	sadd.s32 s2, s25  }
0x94: {  	[hbm4b:s2+s26] =	stream.linear.scatter [tilespmem:s29], [sflag:$0x4], $0x400, $0x38;
	[tilespmem:$0x1200] =	vst v63  }
0x95: {  	_ =	swait.ge [sflag:s30], $0x400  }
0x96: {  	[sflag:s30] =	ssyncset.done $0x0  }
0x97: {  	s31 =	simm.s32 $0x4;
	[sflag:s30] =	ssyncadd.s32 $0xFFFFFC00  }
0x98: {  	_ =	swait.ge [sflag:s31], $0x400  }
0x99: {  	[sflag:s31] =	ssyncset.done $0x0  }
0x9a: {  	[sflag:s31] =	ssyncadd.s32 $0xFFFFFC00  }
0x9b: {  	_ =	sfence.sel $0x180000  }
0x9c: {  	[bflag:$0x0] =	sbarrier.arrive $0xFFFF  }
0x9d: {  	p0 =	sne.s32 s1, $0x0;
	_ =	strace $0x90000047  }
0x9e: {  	s0 =	sadd.s32 @!p0 $0x100000, s0;
	[bflag:$0x2] =	sbarrier.arrive $0xFFFF  }
0x9f: {  	[sflag:s0] =	ssyncadd.tile.s32 @!p0 $0x1;
	_ =	shalt  }
.Lfunc_end2:
_tile_overlayer_lowered:
.L_overlay_start_2:
0xa0: {  	(tag) =	ssettag $0x2  }
0xa1: {  	s0 =	rddreg [dreg:$0x0];
	s2 =	stileid.u32  }
0xa2: {  	s1 =	rddreg [dreg:$0x1];
	p0 =	sne.s32 s2, $0x0  }
0xa3: {  	s3 =	rddreg [dreg:$0x2];
	[bflag:$0x3] =	sbarrier.arrive $0xFFFF;
	s2 =	simm.s32 @!p0 $0x1C05  }
0xa4: {  	[timem:s3], [sflag:s2] =	dma.local @!p0 [hbm:s0], s1  }
0xa5: {  	s0 =	simm.s32 @!p0 $0x5  }
0xa6: {  	_ =	swait.ge @!p0 [sflag:s0], s1  }
0xa7: {  	s1 =	ssub.s32 @!p0 $0x0, s1;
	[sflag:s0] =	ssyncset.done @!p0 $0x0  }
0xa8: {  	[sflag:s0] =	ssyncadd.s32 @!p0 s1  }
0xa9: {  	[bflag:$0x3] =	sbarrier.arrive $0xFFFF  }
0xaa: {  	_ =	shalt  }

</sc_bundles>
